<compile_context>
chip_gen: v7x
topology: tpu7x:2x2x1
jax: 0.10.2.dev20260603
libtpu: 0.0.44.dev20260713+nightly
codegen_flags: <defaults>
</compile_context>

<pallas_src>
import functools

import jax
import jax.numpy as jnp
from jax import lax
from jax.experimental import pallas as pl
from jax.experimental.pallas import tpu as pltpu
from jax.experimental.pallas import tpu_sc as plsc

B, S, V, D, P = 1024, 512, 100000, 128, 512
N = B * S

NC, NS = 2, 16
NW = NC * NS
ROWS_PER_W = N // NW
GCHUNK = 128
CHUNK = 256
NCHUNK = ROWS_PER_W // CHUNK


def _sc_gather(ids_flat, glyph_table):
    mesh = plsc.VectorSubcoreMesh(
        core_axis_name="c", subcore_axis_name="s", num_cores=NC,
        num_subcores=NS)

    @functools.partial(
        pl.kernel,
        out_type=jax.ShapeDtypeStruct((N, D), jnp.float32),
        mesh=mesh,
        scratch_types=[
            pltpu.VMEM((ROWS_PER_W,), jnp.int32),
            pltpu.VMEM((CHUNK, D), jnp.float32),
            pltpu.VMEM((CHUNK, D), jnp.float32),
            pltpu.SemaphoreType.DMA,
            pltpu.SemaphoreType.DMA,
        ],
    )
    def k(ids_hbm, table_hbm, out_hbm, idx_all, rows0, rows1, sg0, sg1):
        wid = lax.axis_index("s") * NC + lax.axis_index("c")
        base_w = wid * ROWS_PER_W
        pltpu.sync_copy(ids_hbm.at[pl.ds(base_w, ROWS_PER_W)], idx_all)

        def gpair(c, rows, sem):
            i0 = c * CHUNK
            pltpu.async_copy(
                table_hbm.at[idx_all.at[pl.ds(i0, GCHUNK)]],
                rows.at[pl.ds(0, GCHUNK)], sem)
            pltpu.async_copy(
                table_hbm.at[idx_all.at[pl.ds(i0 + GCHUNK, GCHUNK)]],
                rows.at[pl.ds(GCHUNK, GCHUNK)], sem)

        def gwait(rows, sem):
            pltpu.make_async_copy(
                table_hbm.at[pl.ds(0, CHUNK)], rows, sem).wait()

        def wback(c, rows):
            pltpu.sync_copy(rows, out_hbm.at[pl.ds(base_w + c * CHUNK, CHUNK)])

        gpair(0, rows0, sg0)

        def body(j, _):
            c0 = j * 2
            gpair(c0 + 1, rows1, sg1)
            gwait(rows0, sg0)
            wback(c0, rows0)
            gpair(c0 + 2, rows0, sg0)
            gwait(rows1, sg1)
            wback(c0 + 1, rows1)
            return 0

        lax.fori_loop(0, NCHUNK // 2 - 1, body, 0)
        gpair(NCHUNK - 1, rows1, sg1)
        gwait(rows0, sg0)
        wback(NCHUNK - 2, rows0)
        gwait(rows1, sg1)
        wback(NCHUNK - 1, rows1)

    return k(ids_flat, glyph_table)


LN_ROWS = 8192


def _ln_body(x_ref, pos_ref, g_ref, b_ref, o_ref):
    x = x_ref[...].reshape(LN_ROWS // S, S, D)
    x = x + pos_ref[...][None, :, :]
    mu = jnp.mean(x, axis=-1, keepdims=True)
    xc = x - mu
    var = jnp.mean(xc * xc, axis=-1, keepdims=True)
    y = xc * lax.rsqrt(var + 1e-12)
    y = y * g_ref[...][0][None, None, :] + b_ref[...][0][None, None, :]
    o_ref[...] = y.reshape(LN_ROWS, D)


def _tc_layernorm(gathered, pos_table, ln_gamma, ln_beta):
    grid = (N // LN_ROWS,)
    return pl.pallas_call(
        _ln_body,
        grid=grid,
        in_specs=[
            pl.BlockSpec((LN_ROWS, D), lambda i: (i, 0)),
            pl.BlockSpec((S, D), lambda i: (0, 0)),
            pl.BlockSpec((1, D), lambda i: (0, 0)),
            pl.BlockSpec((1, D), lambda i: (0, 0)),
        ],
        out_specs=pl.BlockSpec((LN_ROWS, D), lambda i: (i, 0)),
        out_shape=jax.ShapeDtypeStruct((N, D), jnp.float32),
    )(gathered, pos_table, ln_gamma.reshape(1, D), ln_beta.reshape(1, D))


@jax.jit
def kernel(input_ids, pos_table, glyph_table, ln_gamma, ln_beta):
    ids_flat = input_ids.reshape(N)
    gathered = _sc_gather(ids_flat, glyph_table)
    out = _tc_layernorm(gathered, pos_table, ln_gamma, ln_beta)
    return out.reshape(B, S, D), jnp.zeros((), dtype=jnp.float32)

# --- scband reference (transcript-rebuilt; emitter-appended) ---
"""Pipeline reference for scband-glyph-position-embedder-80212809220585 (READ-ONLY COPY).

The authoritative reference and input builder live on the scoring server;
editing this copy changes nothing except your own understanding.
"""

import jax, jax.numpy as jnp
import numpy as np

B, S, V, D, P = 1024, 512, 100000, 128, 512

def setup_inputs(seed: int = 0) -> dict:
    key = jax.random.key(seed)
    k0, k1, k2 = jax.random.split(key, 3)
    input_ids = jax.random.randint(k0, (B, S), 0, V, dtype=jnp.int32)
    pos_table = jax.random.normal(k1, (P, D), dtype=jnp.float32) * 0.02
    glyph_table = jax.random.normal(k2, (V, D), dtype=jnp.float32) * 0.02
    ln_gamma = jnp.ones((D,), dtype=jnp.float32)
    ln_beta = jnp.zeros((D,), dtype=jnp.float32)
    return {"input_ids": input_ids, "pos_table": pos_table, "glyph_table": glyph_table, "ln_gamma": ln_gamma, "ln_beta": ln_beta}

def reference(input_ids, pos_table, glyph_table, ln_gamma, ln_beta):
    b, s = input_ids.shape
    position_ids = jnp.broadcast_to(jnp.arange(s, dtype=input_ids.dtype)[None, :], (b, s))
    position_embeddings = jnp.take(pos_table, position_ids, axis=0)
    glyph_embeddings = jnp.take(glyph_table, input_ids, axis=0)
    glyph_cls_loss = jnp.zeros((), dtype=jnp.float32)
    embeddings = position_embeddings + glyph_embeddings
    mu = jnp.mean(embeddings, axis=-1, keepdims=True)
    var = jnp.mean((embeddings - mu) ** 2, axis=-1, keepdims=True)
    embeddings = (embeddings - mu) / jnp.sqrt(var + 1e-12)
    embeddings = embeddings * ln_gamma + ln_beta
    # dropout is identity in eval mode
    return (embeddings, glyph_cls_loss)

if __name__ == "__main__":
    import jax
    _d = setup_inputs()
    print(jax.jit(kernel)(*tuple(_d.values())))

</pallas_src>

<mosaic_0001>
#map = affine_map<(d0, d1) -> (0)>
#map1 = affine_map<(d0, d1) -> (0, 0)>
module attributes {stable_mosaic.version = 14 : i64} {
  func.func @k(%arg0: i32, %arg1: i32, %arg2: memref<524288xi32, #tpu.memory_space<hbm>>, %arg3: memref<100000x128xf32, #tpu.memory_space<hbm>>, %arg4: memref<524288x128xf32, #tpu.memory_space<hbm>>, %arg5: memref<16384xi32, #tpu.memory_space<vmem>>, %arg6: memref<256x128xf32, #tpu.memory_space<vmem>>, %arg7: memref<256x128xf32, #tpu.memory_space<vmem>>, %arg8: memref<!tpu.dma_semaphore, #tpu.memory_space<semaphore_mem>>, %arg9: memref<!tpu.dma_semaphore, #tpu.memory_space<semaphore_mem>>) attributes {dimension_semantics = [#tpu.dimension_semantics<core_parallel>, #tpu.dimension_semantics<subcore_parallel>], iteration_bounds = array<i64: 2, 16>, scalar_prefetch = 0 : i64, scratch_operands = 5 : i64, tpu.core_type = #tpu.core_type<sc_vector_subcore>, window_params = [{transform_indices = #map}, {transform_indices = #map1}, {transform_indices = #map1}]} {
    %mul3A = arith.constant 2 : i32
    %mul3A_0 = arith.muli %arg1, %mul3A : i32
    %add3A = arith.addi %mul3A_0, %arg0 : i32
    %mul3A_1 = arith.constant 16384 : i32
    %mul3A_2 = arith.muli %add3A, %mul3A_1 : i32
    "tpu.region"() ({
      %run_scoped3A = tpu.sem_alloc : memref<!tpu.dma_semaphore, #tpu.memory_space<semaphore_mem>>
      %dma_start3A_55 = tpu.memref_slice %arg2[%mul3A_2] : memref<524288xi32, #tpu.memory_space<hbm>> -> memref<16384xi32, #tpu.memory_space<hbm>>
      %dma_start3A_56 = tpu.memref_slice %arg2[%mul3A_2] : memref<524288xi32, #tpu.memory_space<hbm>> -> memref<16384xi32, #tpu.memory_space<hbm>>
      tpu.enqueue_dma source(%dma_start3A_56 : memref<16384xi32, #tpu.memory_space<hbm>>) target(%arg5 : memref<16384xi32, #tpu.memory_space<vmem>>) target_semaphore(%run_scoped3A : memref<!tpu.dma_semaphore, #tpu.memory_space<semaphore_mem>>)
      %dma_wait3A_57 = tpu.memref_slice %arg2[%mul3A_2] : memref<524288xi32, #tpu.memory_space<hbm>> -> memref<16384xi32, #tpu.memory_space<hbm>>
      %dma_wait3A_58 = tpu.memref_slice %arg2[%mul3A_2] : memref<524288xi32, #tpu.memory_space<hbm>> -> memref<16384xi32, #tpu.memory_space<hbm>>
      tpu.wait_dma2 semaphore(%run_scoped3A : memref<!tpu.dma_semaphore, #tpu.memory_space<semaphore_mem>>) src(%dma_wait3A_58 : memref<16384xi32, #tpu.memory_space<hbm>>) dst(%arg5 : memref<16384xi32, #tpu.memory_space<vmem>>)
      tpu.yield
    }) : () -> ()
    %dma_start3A = arith.constant 0 : i32
    %dma_start3A_3 = arith.constant 0 : i32
    %dma_start3A_4 = tpu.memref_slice %arg6[%dma_start3A, %dma_start3A_3] : memref<256x128xf32, #tpu.memory_space<vmem>> -> memref<128x128xf32, #tpu.memory_space<vmem>>
    %dma_start3A_5 = arith.constant 0 : i32
    %dma_start3A_6 = tpu.memref_slice %arg5[%dma_start3A_5] : memref<16384xi32, #tpu.memory_space<vmem>> -> memref<128xi32, #tpu.memory_space<vmem>>
    %dma_start3A_7 = arith.constant 0 : i32
    %dma_start3A_8 = arith.constant 0 : i32
    %dma_start3A_9 = tpu.memref_slice %arg3[%dma_start3A_7, %dma_start3A_8] : memref<100000x128xf32, #tpu.memory_space<hbm>> -> memref<100000x128xf32, #tpu.memory_space<hbm>>
    tpu.enqueue_indirect_dma source(%dma_start3A_9 : memref<100000x128xf32, #tpu.memory_space<hbm>>) target(%dma_start3A_4 : memref<128x128xf32, #tpu.memory_space<vmem>>) offsets(%dma_start3A_6 : memref<128xi32, #tpu.memory_space<vmem>>) semaphore(%arg8 : memref<!tpu.dma_semaphore, #tpu.memory_space<semaphore_mem>>)
    %dma_start3A_10 = arith.constant 128 : i32
    %dma_start3A_11 = arith.constant 0 : i32
    %dma_start3A_12 = tpu.memref_slice %arg6[%dma_start3A_10, %dma_start3A_11] : memref<256x128xf32, #tpu.memory_space<vmem>> -> memref<128x128xf32, #tpu.memory_space<vmem>>
    %dma_start3A_13 = arith.constant 128 : i32
    %dma_start3A_14 = tpu.memref_slice %arg5[%dma_start3A_13] : memref<16384xi32, #tpu.memory_space<vmem>> -> memref<128xi32, #tpu.memory_space<vmem>>
    %dma_start3A_15 = arith.constant 0 : i32
    %dma_start3A_16 = arith.constant 0 : i32
    %dma_start3A_17 = tpu.memref_slice %arg3[%dma_start3A_15, %dma_start3A_16] : memref<100000x128xf32, #tpu.memory_space<hbm>> -> memref<100000x128xf32, #tpu.memory_space<hbm>>
    tpu.enqueue_indirect_dma source(%dma_start3A_17 : memref<100000x128xf32, #tpu.memory_space<hbm>>) target(%dma_start3A_12 : memref<128x128xf32, #tpu.memory_space<vmem>>) offsets(%dma_start3A_14 : memref<128xi32, #tpu.memory_space<vmem>>) semaphore(%arg8 : memref<!tpu.dma_semaphore, #tpu.memory_space<semaphore_mem>>)
    %scan3A = arith.constant 0 : i32
    %scan3A_18 = arith.constant 0 : i32
    %scan3A_19 = arith.constant 31 : i32
    %scan3A_20 = arith.addi %scan3A_18, %scan3A_19 : i32
    %scan3A_21 = arith.constant 1 : i32
    %scan3A_22 = scf.for %scan3A_55 = %scan3A_18 to %scan3A_20 step %scan3A_21 iter_args(%scan3A_56 = %scan3A) -> (i32)  : i32 {
      %mul3A_57 = arith.constant 2 : i32
      %mul3A_58 = arith.muli %scan3A_55, %mul3A_57 : i32
      %add3A_59 = arith.constant 1 : i32
      %add3A_60 = arith.addi %mul3A_58, %add3A_59 : i32
      %mul3A_61 = arith.constant 256 : i32
      %mul3A_62 = arith.muli %add3A_60, %mul3A_61 : i32
      %dma_start3A_63 = arith.constant 0 : i32
      %dma_start3A_64 = arith.constant 0 : i32
      %dma_start3A_65 = tpu.memref_slice %arg7[%dma_start3A_63, %dma_start3A_64] : memref<256x128xf32, #tpu.memory_space<vmem>> -> memref<128x128xf32, #tpu.memory_space<vmem>>
      %dma_start3A_66 = tpu.memref_slice %arg5[%mul3A_62] : memref<16384xi32, #tpu.memory_space<vmem>> -> memref<128xi32, #tpu.memory_space<vmem>>
      %dma_start3A_67 = arith.constant 0 : i32
      %dma_start3A_68 = arith.constant 0 : i32
      %dma_start3A_69 = tpu.memref_slice %arg3[%dma_start3A_67, %dma_start3A_68] : memref<100000x128xf32, #tpu.memory_space<hbm>> -> memref<100000x128xf32, #tpu.memory_space<hbm>>
      tpu.enqueue_indirect_dma source(%dma_start3A_69 : memref<100000x128xf32, #tpu.memory_space<hbm>>) target(%dma_start3A_65 : memref<128x128xf32, #tpu.memory_space<vmem>>) offsets(%dma_start3A_66 : memref<128xi32, #tpu.memory_space<vmem>>) semaphore(%arg9 : memref<!tpu.dma_semaphore, #tpu.memory_space<semaphore_mem>>)
      %add3A_70 = arith.constant 128 : i32
      %add3A_71 = arith.addi %mul3A_62, %add3A_70 : i32
      %dma_start3A_72 = arith.constant 128 : i32
      %dma_start3A_73 = arith.constant 0 : i32
      %dma_start3A_74 = tpu.memref_slice %arg7[%dma_start3A_72, %dma_start3A_73] : memref<256x128xf32, #tpu.memory_space<vmem>> -> memref<128x128xf32, #tpu.memory_space<vmem>>
      %dma_start3A_75 = tpu.memref_slice %arg5[%add3A_71] : memref<16384xi32, #tpu.memory_space<vmem>> -> memref<128xi32, #tpu.memory_space<vmem>>
      %dma_start3A_76 = arith.constant 0 : i32
      %dma_start3A_77 = arith.constant 0 : i32
      %dma_start3A_78 = tpu.memref_slice %arg3[%dma_start3A_76, %dma_start3A_77] : memref<100000x128xf32, #tpu.memory_space<hbm>> -> memref<100000x128xf32, #tpu.memory_space<hbm>>
      tpu.enqueue_indirect_dma source(%dma_start3A_78 : memref<100000x128xf32, #tpu.memory_space<hbm>>) target(%dma_start3A_74 : memref<128x128xf32, #tpu.memory_space<vmem>>) offsets(%dma_start3A_75 : memref<128xi32, #tpu.memory_space<vmem>>) semaphore(%arg9 : memref<!tpu.dma_semaphore, #tpu.memory_space<semaphore_mem>>)
      %dma_wait3A_79 = arith.constant 0 : i32
      %dma_wait3A_80 = arith.constant 0 : i32
      %dma_wait3A_81 = tpu.memref_slice %arg3[%dma_wait3A_79, %dma_wait3A_80] : memref<100000x128xf32, #tpu.memory_space<hbm>> -> memref<256x128xf32, #tpu.memory_space<hbm>>
      %dma_wait3A_82 = arith.constant 0 : i32
      %dma_wait3A_83 = arith.constant 0 : i32
      %dma_wait3A_84 = tpu.memref_slice %arg3[%dma_wait3A_82, %dma_wait3A_83] : memref<100000x128xf32, #tpu.memory_space<hbm>> -> memref<256x128xf32, #tpu.memory_space<hbm>>
      tpu.wait_dma2 semaphore(%arg8 : memref<!tpu.dma_semaphore, #tpu.memory_space<semaphore_mem>>) src(%dma_wait3A_84 : memref<256x128xf32, #tpu.memory_space<hbm>>) dst(%arg6 : memref<256x128xf32, #tpu.memory_space<vmem>>)
      %mul3A_85 = arith.constant 256 : i32
      %mul3A_86 = arith.muli %mul3A_58, %mul3A_85 : i32
      %add3A_87 = arith.addi %mul3A_2, %mul3A_86 : i32
      "tpu.region"() ({
        %run_scoped3A = tpu.sem_alloc : memref<!tpu.dma_semaphore, #tpu.memory_space<semaphore_mem>>
        %dma_start3A_120 = arith.constant 0 : i32
        %dma_start3A_121 = tpu.memref_slice %arg4[%add3A_87, %dma_start3A_120] : memref<524288x128xf32, #tpu.memory_space<hbm>> -> memref<256x128xf32, #tpu.memory_space<hbm>>
        %dma_start3A_122 = arith.constant 0 : i32
        %dma_start3A_123 = tpu.memref_slice %arg4[%add3A_87, %dma_start3A_122] : memref<524288x128xf32, #tpu.memory_space<hbm>> -> memref<256x128xf32, #tpu.memory_space<hbm>>
        tpu.enqueue_dma source(%arg6 : memref<256x128xf32, #tpu.memory_space<vmem>>) target(%dma_start3A_123 : memref<256x128xf32, #tpu.memory_space<hbm>>) target_semaphore(%run_scoped3A : memref<!tpu.dma_semaphore, #tpu.memory_space<semaphore_mem>>)
        %dma_wait3A_124 = arith.constant 0 : i32
        %dma_wait3A_125 = tpu.memref_slice %arg4[%add3A_87, %dma_wait3A_124] : memref<524288x128xf32, #tpu.memory_space<hbm>> -> memref<256x128xf32, #tpu.memory_space<hbm>>
        %dma_wait3A_126 = arith.constant 0 : i32
        %dma_wait3A_127 = tpu.memref_slice %arg4[%add3A_87, %dma_wait3A_126] : memref<524288x128xf32, #tpu.memory_space<hbm>> -> memref<256x128xf32, #tpu.memory_space<hbm>>
        tpu.wait_dma2 semaphore(%run_scoped3A : memref<!tpu.dma_semaphore, #tpu.memory_space<semaphore_mem>>) src(%arg6 : memref<256x128xf32, #tpu.memory_space<vmem>>) dst(%dma_wait3A_127 : memref<256x128xf32, #tpu.memory_space<hbm>>)
        tpu.yield
      }) : () -> ()
      %add3A_88 = arith.constant 2 : i32
      %add3A_89 = arith.addi %mul3A_58, %add3A_88 : i32
      %mul3A_90 = arith.constant 256 : i32
      %mul3A_91 = arith.muli %add3A_89, %mul3A_90 : i32
      %dma_start3A_92 = arith.constant 0 : i32
      %dma_start3A_93 = arith.constant 0 : i32
      %dma_start3A_94 = tpu.memref_slice %arg6[%dma_start3A_92, %dma_start3A_93] : memref<256x128xf32, #tpu.memory_space<vmem>> -> memref<128x128xf32, #tpu.memory_space<vmem>>
      %dma_start3A_95 = tpu.memref_slice %arg5[%mul3A_91] : memref<16384xi32, #tpu.memory_space<vmem>> -> memref<128xi32, #tpu.memory_space<vmem>>
      %dma_start3A_96 = arith.constant 0 : i32
      %dma_start3A_97 = arith.constant 0 : i32
      %dma_start3A_98 = tpu.memref_slice %arg3[%dma_start3A_96, %dma_start3A_97] : memref<100000x128xf32, #tpu.memory_space<hbm>> -> memref<100000x128xf32, #tpu.memory_space<hbm>>
      tpu.enqueue_indirect_dma source(%dma_start3A_98 : memref<100000x128xf32, #tpu.memory_space<hbm>>) target(%dma_start3A_94 : memref<128x128xf32, #tpu.memory_space<vmem>>) offsets(%dma_start3A_95 : memref<128xi32, #tpu.memory_space<vmem>>) semaphore(%arg8 : memref<!tpu.dma_semaphore, #tpu.memory_space<semaphore_mem>>)
      %add3A_99 = arith.constant 128 : i32
      %add3A_100 = arith.addi %mul3A_91, %add3A_99 : i32
      %dma_start3A_101 = arith.constant 128 : i32
      %dma_start3A_102 = arith.constant 0 : i32
      %dma_start3A_103 = tpu.memref_slice %arg6[%dma_start3A_101, %dma_start3A_102] : memref<256x128xf32, #tpu.memory_space<vmem>> -> memref<128x128xf32, #tpu.memory_space<vmem>>
      %dma_start3A_104 = tpu.memref_slice %arg5[%add3A_100] : memref<16384xi32, #tpu.memory_space<vmem>> -> memref<128xi32, #tpu.memory_space<vmem>>
      %dma_start3A_105 = arith.constant 0 : i32
      %dma_start3A_106 = arith.constant 0 : i32
      %dma_start3A_107 = tpu.memref_slice %arg3[%dma_start3A_105, %dma_start3A_106] : memref<100000x128xf32, #tpu.memory_space<hbm>> -> memref<100000x128xf32, #tpu.memory_space<hbm>>
      tpu.enqueue_indirect_dma source(%dma_start3A_107 : memref<100000x128xf32, #tpu.memory_space<hbm>>) target(%dma_start3A_103 : memref<128x128xf32, #tpu.memory_space<vmem>>) offsets(%dma_start3A_104 : memref<128xi32, #tpu.memory_space<vmem>>) semaphore(%arg8 : memref<!tpu.dma_semaphore, #tpu.memory_space<semaphore_mem>>)
      %dma_wait3A_108 = arith.constant 0 : i32
      %dma_wait3A_109 = arith.constant 0 : i32
      %dma_wait3A_110 = tpu.memref_slice %arg3[%dma_wait3A_108, %dma_wait3A_109] : memref<100000x128xf32, #tpu.memory_space<hbm>> -> memref<256x128xf32, #tpu.memory_space<hbm>>
      %dma_wait3A_111 = arith.constant 0 : i32
      %dma_wait3A_112 = arith.constant 0 : i32
      %dma_wait3A_113 = tpu.memref_slice %arg3[%dma_wait3A_111, %dma_wait3A_112] : memref<100000x128xf32, #tpu.memory_space<hbm>> -> memref<256x128xf32, #tpu.memory_space<hbm>>
      tpu.wait_dma2 semaphore(%arg9 : memref<!tpu.dma_semaphore, #tpu.memory_space<semaphore_mem>>) src(%dma_wait3A_113 : memref<256x128xf32, #tpu.memory_space<hbm>>) dst(%arg7 : memref<256x128xf32, #tpu.memory_space<vmem>>)
      %add3A_114 = arith.constant 1 : i32
      %add3A_115 = arith.addi %mul3A_58, %add3A_114 : i32
      %mul3A_116 = arith.constant 256 : i32
      %mul3A_117 = arith.muli %add3A_115, %mul3A_116 : i32
      %add3A_118 = arith.addi %mul3A_2, %mul3A_117 : i32
      "tpu.region"() ({
        %run_scoped3A = tpu.sem_alloc : memref<!tpu.dma_semaphore, #tpu.memory_space<semaphore_mem>>
        %dma_start3A_120 = arith.constant 0 : i32
        %dma_start3A_121 = tpu.memref_slice %arg4[%add3A_118, %dma_start3A_120] : memref<524288x128xf32, #tpu.memory_space<hbm>> -> memref<256x128xf32, #tpu.memory_space<hbm>>
        %dma_start3A_122 = arith.constant 0 : i32
        %dma_start3A_123 = tpu.memref_slice %arg4[%add3A_118, %dma_start3A_122] : memref<524288x128xf32, #tpu.memory_space<hbm>> -> memref<256x128xf32, #tpu.memory_space<hbm>>
        tpu.enqueue_dma source(%arg7 : memref<256x128xf32, #tpu.memory_space<vmem>>) target(%dma_start3A_123 : memref<256x128xf32, #tpu.memory_space<hbm>>) target_semaphore(%run_scoped3A : memref<!tpu.dma_semaphore, #tpu.memory_space<semaphore_mem>>)
        %dma_wait3A_124 = arith.constant 0 : i32
        %dma_wait3A_125 = tpu.memref_slice %arg4[%add3A_118, %dma_wait3A_124] : memref<524288x128xf32, #tpu.memory_space<hbm>> -> memref<256x128xf32, #tpu.memory_space<hbm>>
        %dma_wait3A_126 = arith.constant 0 : i32
        %dma_wait3A_127 = tpu.memref_slice %arg4[%add3A_118, %dma_wait3A_126] : memref<524288x128xf32, #tpu.memory_space<hbm>> -> memref<256x128xf32, #tpu.memory_space<hbm>>
        tpu.wait_dma2 semaphore(%run_scoped3A : memref<!tpu.dma_semaphore, #tpu.memory_space<semaphore_mem>>) src(%arg7 : memref<256x128xf32, #tpu.memory_space<vmem>>) dst(%dma_wait3A_127 : memref<256x128xf32, #tpu.memory_space<hbm>>)
        tpu.yield
      }) : () -> ()
      %scan3A_119 = arith.constant 0 : i32
      scf.yield %scan3A_119 : i32
    }
    %scan3A_23 = arith.constant 31 : i32
    %dma_start3A_24 = arith.constant 0 : i32
    %dma_start3A_25 = arith.constant 0 : i32
    %dma_start3A_26 = tpu.memref_slice %arg7[%dma_start3A_24, %dma_start3A_25] : memref<256x128xf32, #tpu.memory_space<vmem>> -> memref<128x128xf32, #tpu.memory_space<vmem>>
    %dma_start3A_27 = arith.constant 16128 : i32
    %dma_start3A_28 = tpu.memref_slice %arg5[%dma_start3A_27] : memref<16384xi32, #tpu.memory_space<vmem>> -> memref<128xi32, #tpu.memory_space<vmem>>
    %dma_start3A_29 = arith.constant 0 : i32
    %dma_start3A_30 = arith.constant 0 : i32
    %dma_start3A_31 = tpu.memref_slice %arg3[%dma_start3A_29, %dma_start3A_30] : memref<100000x128xf32, #tpu.memory_space<hbm>> -> memref<100000x128xf32, #tpu.memory_space<hbm>>
    tpu.enqueue_indirect_dma source(%dma_start3A_31 : memref<100000x128xf32, #tpu.memory_space<hbm>>) target(%dma_start3A_26 : memref<128x128xf32, #tpu.memory_space<vmem>>) offsets(%dma_start3A_28 : memref<128xi32, #tpu.memory_space<vmem>>) semaphore(%arg9 : memref<!tpu.dma_semaphore, #tpu.memory_space<semaphore_mem>>)
    %dma_start3A_32 = arith.constant 128 : i32
    %dma_start3A_33 = arith.constant 0 : i32
    %dma_start3A_34 = tpu.memref_slice %arg7[%dma_start3A_32, %dma_start3A_33] : memref<256x128xf32, #tpu.memory_space<vmem>> -> memref<128x128xf32, #tpu.memory_space<vmem>>
    %dma_start3A_35 = arith.constant 16256 : i32
    %dma_start3A_36 = tpu.memref_slice %arg5[%dma_start3A_35] : memref<16384xi32, #tpu.memory_space<vmem>> -> memref<128xi32, #tpu.memory_space<vmem>>
    %dma_start3A_37 = arith.constant 0 : i32
    %dma_start3A_38 = arith.constant 0 : i32
    %dma_start3A_39 = tpu.memref_slice %arg3[%dma_start3A_37, %dma_start3A_38] : memref<100000x128xf32, #tpu.memory_space<hbm>> -> memref<100000x128xf32, #tpu.memory_space<hbm>>
    tpu.enqueue_indirect_dma source(%dma_start3A_39 : memref<100000x128xf32, #tpu.memory_space<hbm>>) target(%dma_start3A_34 : memref<128x128xf32, #tpu.memory_space<vmem>>) offsets(%dma_start3A_36 : memref<128xi32, #tpu.memory_space<vmem>>) semaphore(%arg9 : memref<!tpu.dma_semaphore, #tpu.memory_space<semaphore_mem>>)
    %dma_wait3A = arith.constant 0 : i32
    %dma_wait3A_40 = arith.constant 0 : i32
    %dma_wait3A_41 = tpu.memref_slice %arg3[%dma_wait3A, %dma_wait3A_40] : memref<100000x128xf32, #tpu.memory_space<hbm>> -> memref<256x128xf32, #tpu.memory_space<hbm>>
    %dma_wait3A_42 = arith.constant 0 : i32
    %dma_wait3A_43 = arith.constant 0 : i32
    %dma_wait3A_44 = tpu.memref_slice %arg3[%dma_wait3A_42, %dma_wait3A_43] : memref<100000x128xf32, #tpu.memory_space<hbm>> -> memref<256x128xf32, #tpu.memory_space<hbm>>
    tpu.wait_dma2 semaphore(%arg8 : memref<!tpu.dma_semaphore, #tpu.memory_space<semaphore_mem>>) src(%dma_wait3A_44 : memref<256x128xf32, #tpu.memory_space<hbm>>) dst(%arg6 : memref<256x128xf32, #tpu.memory_space<vmem>>)
    %add3A_45 = arith.constant 15872 : i32
    %add3A_46 = arith.addi %mul3A_2, %add3A_45 : i32
    "tpu.region"() ({
      %run_scoped3A = tpu.sem_alloc : memref<!tpu.dma_semaphore, #tpu.memory_space<semaphore_mem>>
      %dma_start3A_55 = arith.constant 0 : i32
      %dma_start3A_56 = tpu.memref_slice %arg4[%add3A_46, %dma_start3A_55] : memref<524288x128xf32, #tpu.memory_space<hbm>> -> memref<256x128xf32, #tpu.memory_space<hbm>>
      %dma_start3A_57 = arith.constant 0 : i32
      %dma_start3A_58 = tpu.memref_slice %arg4[%add3A_46, %dma_start3A_57] : memref<524288x128xf32, #tpu.memory_space<hbm>> -> memref<256x128xf32, #tpu.memory_space<hbm>>
      tpu.enqueue_dma source(%arg6 : memref<256x128xf32, #tpu.memory_space<vmem>>) target(%dma_start3A_58 : memref<256x128xf32, #tpu.memory_space<hbm>>) target_semaphore(%run_scoped3A : memref<!tpu.dma_semaphore, #tpu.memory_space<semaphore_mem>>)
      %dma_wait3A_59 = arith.constant 0 : i32
      %dma_wait3A_60 = tpu.memref_slice %arg4[%add3A_46, %dma_wait3A_59] : memref<524288x128xf32, #tpu.memory_space<hbm>> -> memref<256x128xf32, #tpu.memory_space<hbm>>
      %dma_wait3A_61 = arith.constant 0 : i32
      %dma_wait3A_62 = tpu.memref_slice %arg4[%add3A_46, %dma_wait3A_61] : memref<524288x128xf32, #tpu.memory_space<hbm>> -> memref<256x128xf32, #tpu.memory_space<hbm>>
      tpu.wait_dma2 semaphore(%run_scoped3A : memref<!tpu.dma_semaphore, #tpu.memory_space<semaphore_mem>>) src(%arg6 : memref<256x128xf32, #tpu.memory_space<vmem>>) dst(%dma_wait3A_62 : memref<256x128xf32, #tpu.memory_space<hbm>>)
      tpu.yield
    }) : () -> ()
    %dma_wait3A_47 = arith.constant 0 : i32
    %dma_wait3A_48 = arith.constant 0 : i32
    %dma_wait3A_49 = tpu.memref_slice %arg3[%dma_wait3A_47, %dma_wait3A_48] : memref<100000x128xf32, #tpu.memory_space<hbm>> -> memref<256x128xf32, #tpu.memory_space<hbm>>
    %dma_wait3A_50 = arith.constant 0 : i32
    %dma_wait3A_51 = arith.constant 0 : i32
    %dma_wait3A_52 = tpu.memref_slice %arg3[%dma_wait3A_50, %dma_wait3A_51] : memref<100000x128xf32, #tpu.memory_space<hbm>> -> memref<256x128xf32, #tpu.memory_space<hbm>>
    tpu.wait_dma2 semaphore(%arg9 : memref<!tpu.dma_semaphore, #tpu.memory_space<semaphore_mem>>) src(%dma_wait3A_52 : memref<256x128xf32, #tpu.memory_space<hbm>>) dst(%arg7 : memref<256x128xf32, #tpu.memory_space<vmem>>)
    %add3A_53 = arith.constant 16128 : i32
    %add3A_54 = arith.addi %mul3A_2, %add3A_53 : i32
    "tpu.region"() ({
      %run_scoped3A = tpu.sem_alloc : memref<!tpu.dma_semaphore, #tpu.memory_space<semaphore_mem>>
      %dma_start3A_55 = arith.constant 0 : i32
      %dma_start3A_56 = tpu.memref_slice %arg4[%add3A_54, %dma_start3A_55] : memref<524288x128xf32, #tpu.memory_space<hbm>> -> memref<256x128xf32, #tpu.memory_space<hbm>>
      %dma_start3A_57 = arith.constant 0 : i32
      %dma_start3A_58 = tpu.memref_slice %arg4[%add3A_54, %dma_start3A_57] : memref<524288x128xf32, #tpu.memory_space<hbm>> -> memref<256x128xf32, #tpu.memory_space<hbm>>
      tpu.enqueue_dma source(%arg7 : memref<256x128xf32, #tpu.memory_space<vmem>>) target(%dma_start3A_58 : memref<256x128xf32, #tpu.memory_space<hbm>>) target_semaphore(%run_scoped3A : memref<!tpu.dma_semaphore, #tpu.memory_space<semaphore_mem>>)
      %dma_wait3A_59 = arith.constant 0 : i32
      %dma_wait3A_60 = tpu.memref_slice %arg4[%add3A_54, %dma_wait3A_59] : memref<524288x128xf32, #tpu.memory_space<hbm>> -> memref<256x128xf32, #tpu.memory_space<hbm>>
      %dma_wait3A_61 = arith.constant 0 : i32
      %dma_wait3A_62 = tpu.memref_slice %arg4[%add3A_54, %dma_wait3A_61] : memref<524288x128xf32, #tpu.memory_space<hbm>> -> memref<256x128xf32, #tpu.memory_space<hbm>>
      tpu.wait_dma2 semaphore(%run_scoped3A : memref<!tpu.dma_semaphore, #tpu.memory_space<semaphore_mem>>) src(%arg7 : memref<256x128xf32, #tpu.memory_space<vmem>>) dst(%dma_wait3A_62 : memref<256x128xf32, #tpu.memory_space<hbm>>)
      tpu.yield
    }) : () -> ()
    return
  }
}

module attributes {stable_mosaic.version = 14 : i64} {
  func.func @_ln_body(%arg0: i32, %arg1: memref<8192x128xf32, #tpu.memory_space<vmem>>, %arg2: memref<512x128xf32, #tpu.memory_space<vmem>>, %arg3: memref<1x128xf32, #tpu.memory_space<vmem>>, %arg4: memref<1x128xf32, #tpu.memory_space<vmem>>, %arg5: memref<8192x128xf32, #tpu.memory_space<vmem>>) attributes {dimension_semantics = [#tpu.dimension_semantics<arbitrary>], iteration_bounds = array<i64: 64>, scalar_prefetch = 0 : i64, scratch_operands = 0 : i64, tpu.core_type = #tpu.core_type<tc>, window_params = [{transform_indices = @transform_0, window_bounds = array<i64: 8192, 128>}, {pipeline_mode = #tpu.pipeline_mode<synchronous>, transform_indices = @transform_1, window_bounds = array<i64: 512, 128>}, {pipeline_mode = #tpu.pipeline_mode<synchronous>, transform_indices = @transform_2, window_bounds = array<i64: 1, 128>}, {pipeline_mode = #tpu.pipeline_mode<synchronous>, transform_indices = @transform_3, window_bounds = array<i64: 1, 128>}, {transform_indices = @transform_4, window_bounds = array<i64: 8192, 128>}]} {
    %get3A = arith.constant 0 : index
    %get3A_0 = arith.constant 0 : index
    %get3A_1 = vector.load %arg1[%get3A, %get3A_0] : memref<8192x128xf32, #tpu.memory_space<vmem>>, vector<8192x128xf32>
    %reshape3A = vector.shape_cast %get3A_1 : vector<8192x128xf32> to vector<16x512x128xf32>
    %get3A_2 = arith.constant 0 : index
    %get3A_3 = arith.constant 0 : index
    %get3A_4 = vector.load %arg2[%get3A_2, %get3A_3] : memref<512x128xf32, #tpu.memory_space<vmem>>, vector<512x128xf32>
    %broadcast_in_dim3A = vector.shape_cast %get3A_4 : vector<512x128xf32> to vector<1x512x128xf32>
    %add3A = vector.broadcast %broadcast_in_dim3A : vector<1x512x128xf32> to vector<16x512x128xf32>
    %add3A_5 = arith.addf %reshape3A, %add3A : vector<16x512x128xf32>
    %reduce_sum3A = arith.constant dense<0.000000e+00> : vector<16x512xf32>
    %reduce_sum3A_6 = vector.multi_reduction <add>, %add3A_5, %reduce_sum3A [2] : vector<16x512x128xf32> to vector<16x512xf32>
    %broadcast_in_dim3A_7 = vector.shape_cast %reduce_sum3A_6 : vector<16x512xf32> to vector<16x512x1xf32>
    %div3A = arith.constant 1.280000e+02 : f32
    %div3A_8 = vector.broadcast %div3A : f32 to vector<16x512x1xf32>
    %div3A_9 = arith.divf %broadcast_in_dim3A_7, %div3A_8 : vector<16x512x1xf32>
    %sub3A = vector.broadcast %div3A_9 : vector<16x512x1xf32> to vector<16x512x128xf32>
    %sub3A_10 = arith.subf %add3A_5, %sub3A : vector<16x512x128xf32>
    %mul3A = arith.mulf %sub3A_10, %sub3A_10 : vector<16x512x128xf32>
    %reduce_sum3A_11 = arith.constant dense<0.000000e+00> : vector<16x512xf32>
    %reduce_sum3A_12 = vector.multi_reduction <add>, %mul3A, %reduce_sum3A_11 [2] : vector<16x512x128xf32> to vector<16x512xf32>
    %broadcast_in_dim3A_13 = vector.shape_cast %reduce_sum3A_12 : vector<16x512xf32> to vector<16x512x1xf32>
    %div3A_14 = arith.constant 1.280000e+02 : f32
    %div3A_15 = vector.broadcast %div3A_14 : f32 to vector<16x512x1xf32>
    %div3A_16 = arith.divf %broadcast_in_dim3A_13, %div3A_15 : vector<16x512x1xf32>
    %add3A_17 = arith.constant 9.99999996E-13 : f32
    %add3A_18 = vector.broadcast %add3A_17 : f32 to vector<16x512x1xf32>
    %add3A_19 = arith.addf %div3A_16, %add3A_18 : vector<16x512x1xf32>
    %rsqrt3A = math.rsqrt %add3A_19 : vector<16x512x1xf32>
    %mul3A_20 = vector.broadcast %rsqrt3A : vector<16x512x1xf32> to vector<16x512x128xf32>
    %mul3A_21 = arith.mulf %sub3A_10, %mul3A_20 : vector<16x512x128xf32>
    %get3A_22 = arith.constant 0 : index
    %get3A_23 = arith.constant 0 : index
    %get3A_24 = vector.load %arg3[%get3A_22, %get3A_23] : memref<1x128xf32, #tpu.memory_space<vmem>>, vector<1x128xf32>
    %squeeze3A = vector.shape_cast %get3A_24 : vector<1x128xf32> to vector<128xf32>
    %broadcast_in_dim3A_25 = vector.shape_cast %squeeze3A : vector<128xf32> to vector<1x1x128xf32>
    %mul3A_26 = vector.broadcast %broadcast_in_dim3A_25 : vector<1x1x128xf32> to vector<16x512x128xf32>
    %mul3A_27 = arith.mulf %mul3A_21, %mul3A_26 : vector<16x512x128xf32>
    %get3A_28 = arith.constant 0 : index
    %get3A_29 = arith.constant 0 : index
    %get3A_30 = vector.load %arg4[%get3A_28, %get3A_29] : memref<1x128xf32, #tpu.memory_space<vmem>>, vector<1x128xf32>
    %squeeze3A_31 = vector.shape_cast %get3A_30 : vector<1x128xf32> to vector<128xf32>
    %broadcast_in_dim3A_32 = vector.shape_cast %squeeze3A_31 : vector<128xf32> to vector<1x1x128xf32>
    %add3A_33 = vector.broadcast %broadcast_in_dim3A_32 : vector<1x1x128xf32> to vector<16x512x128xf32>
    %add3A_34 = arith.addf %mul3A_27, %add3A_33 : vector<16x512x128xf32>
    %reshape3A_35 = vector.shape_cast %add3A_34 : vector<16x512x128xf32> to vector<8192x128xf32>
    %swap3A = arith.constant 0 : index
    %swap3A_36 = arith.constant 0 : index
    %swap3A_37 = vector.load %arg5[%swap3A, %swap3A_36] : memref<8192x128xf32, #tpu.memory_space<vmem>>, vector<8192x128xf32>
    tpu.vector_store %arg5[%swap3A, %swap3A_36], %reshape3A_35 {strides = array<i32>} : memref<8192x128xf32, #tpu.memory_space<vmem>>, vector<8192x128xf32>,
    return
  }
  func.func @transform_0(%arg0: i32) -> (i32, i32) {
    %c0_i32 = arith.constant 0 : i32
    %c0_i32_0 = arith.constant 0 : i32
    return %arg0, %c0_i32 : i32, i32
  }
  func.func @transform_1(%arg0: i32) -> (i32, i32) {
    %c0_i32 = arith.constant 0 : i32
    %c0_i32_0 = arith.constant 0 : i32
    %c0_i32_1 = arith.constant 0 : i32
    return %c0_i32, %c0_i32_0 : i32, i32
  }
  func.func @transform_2(%arg0: i32) -> (i32, i32) {
    %c0_i32 = arith.constant 0 : i32
    %c0_i32_0 = arith.constant 0 : i32
    %c0_i32_1 = arith.constant 0 : i32
    return %c0_i32, %c0_i32_0 : i32, i32
  }
  func.func @transform_3(%arg0: i32) -> (i32, i32) {
    %c0_i32 = arith.constant 0 : i32
    %c0_i32_0 = arith.constant 0 : i32
    %c0_i32_1 = arith.constant 0 : i32
    return %c0_i32, %c0_i32_0 : i32, i32
  }
  func.func @transform_4(%arg0: i32) -> (i32, i32) {
    %c0_i32 = arith.constant 0 : i32
    %c0_i32_0 = arith.constant 0 : i32
    return %arg0, %c0_i32 : i32, i32
  }
}

</mosaic_0001>

<sc_bundles>
// kernel: kernel.4.cloned.1.call-start
scs
__scs_entry_jumppad:
0x0: {  	(pc) =	sbr.rel $0x88, $3  }
0x1: {  	(tag) =	ssettag $0x0;
	lr =	simm.s32 $0x1  }
0x2: {  	[smem:$0x3F9C] =	sst lr;
	_ =	strace $0xD0000000  }
0x3: {  	_ = 	snop  }
0x4: {  	_ = 	snop  }
0x5: {  	_ = 	snop  }
0x6: {  	_ = 	snop  }
0x7: {  	_ = 	snop  }
__scs_overlays_trampoline_lowered:
0x8: {  	[smem:$0x3FAB] =	sst s0  }
0x9: {  	[smem:$0x3FAC] =	sst s1  }
0xa: {  	[smem:$0x3FAD] =	sst s2  }
0xb: {  	[smem:$0x3FAE] =	sst s3  }
0xc: {  	[smem:$0x3FAF] =	sst s4  }
0xd: {  	[smem:$0x3FB0] =	sst s5  }
0xe: {  	[smem:$0x3FB1] =	sst s6  }
0xf: {  	[smem:$0x3FB2] =	sst s7  }
0x10: {  	[smem:$0x3FB3] =	sst s8  }
0x11: {  	[smem:$0x3FB4] =	sst s9;
	s0 =	simm.s32 @!p0 $0x0  }
0x12: {  	s1 =	sld [smem:$0x3F9A];
	s0 =	simm.s32 @p0 $0x1  }
0x13: {  	[smem:$0x3FB5] =	sst s0;
	s0 =	simm.s32 @!p1 $0x0  }
0x14: {  	s2 =	sld [smem:$0x3F99];
	s0 =	simm.s32 @p1 $0x1  }
0x15: {  	[smem:$0x3FB6] =	sst s0;
	s0 =	simm.s32 @!p2 $0x0  }
0x16: {  	s3 =	sld [smem:$0x3FDB];
	s0 =	simm.s32 @p2 $0x1  }
0x17: {  	s4 =	simm.s32 $0x1BF5;
	[smem:$0x3FB8] =	sst s0  }
0x18: {  	s0 =	sld [smem:$0x3F9B];
	_ =	swait.ge [sflag:s4], $0x0  }
0x19: {  	s7 =	sld [smem:$0x3F9C]  }
0x1a: {  	s8 =	sadd.s32 $0xFFFFE003, lr  }
0x1b: {  	s9 =	sadd.s32 $0xFFFFFEF7, lr;
	s5 =	simm.s32 $0xFFFFFFFF;
	p2 =	slt.u32 s8, $0xFFFFF086  }
0x1c: {  	p1 =	slt.u32 s9, $0xF7A;
	s5 =	simm.s32 @!p2 $0x0  }
0x1d: {  	s5 =	simm.s32 @p1 $0x1;
	p0 =	seq.s32 s7, s2  }
0x1e: {  	s7 =	smul.u32 @!p0 $0xF7A, s2;
	p2 =	seq.s32 @!p0 s5, $0x0  }
0x1f: {  	s9 =	smul.u32 $0xF7A, s1;
	s8 =	simm.s32 @!p0 $0x1BF5;
	p2 =	por !p2, p0  }
0x20: {  	[sflag:s8] =	ssyncset.s32 @!p0 $0xFFFFF086;
	s6 =	sadd.s32 @!p0 s3, s7;
	s7 =	simm.s32 @!p0 $0x108  }
0x21: {  	s3 =	sadd.s32 s3, s9;
	s6 =	sadd.s32 @!p0 $0x88, s6;
	s7 =	simm.s32 @p2 $0x1082  }
0x22: {  	[simem:s7], [sflag:s8] =	dma.local @!p0 [hbm:s6], $0xF7A  }
0x23: {  	s9 =	sor.u32 $0xD0000000, s2;
	s6 =	simm.s32 $0x108;
	_ =	swait.ge @!p0 [sflag:s8], $0x0  }
0x24: {  	s3 =	sadd.s32 $0x88, s3;
	s6 =	simm.s32 @!p1 $0x1082;
	[sflag:s4] =	ssyncset.s32 $0xFFFFF086  }
0x25: {  	[simem:s6], [sflag:s4] =	dma.local [hbm:s3], $0xF7A  }
0x26: {  	[smem:$0x3F9C] =	sst s1;
	(tag) =	ssettag s2;
	_ =	strace s9  }
0x27: {  	s1 =	sld [smem:$0x3FAC]  }
0x28: {  	s2 =	sld [smem:$0x3FAD]  }
0x29: {  	s4 =	sld [smem:$0x3FAF]  }
0x2a: {  	p0 =	seq.s32 s5, $0x0;
	s5 =	sld [smem:$0x3FB0]  }
0x2b: {  	s6 =	sld [smem:$0x3FB1]  }
0x2c: {  	s7 =	sld [smem:$0x3FB2]  }
0x2d: {  	s3 =	simm.s32 $0x108;
	s8 =	sld [smem:$0x3FB3]  }
0x2e: {  	s3 =	simm.s32 @!p0 $0x1082;
	s9 =	sld [smem:$0x3FB4]  }
0x2f: {  	lr =	sadd.s32 s0, s3;
	s0 =	sld [smem:$0x3FAB]  }
0x30: {  	s3 =	sld [smem:$0x3FAE]  }
0x31: {  	[smem:$0x3FB7] =	sst s10  }
0x32: {  	s10 =	sld [smem:$0x3FB5];
	_ =	sdelay $0x3  }
0x33: {  	p0 =	seq.s32 s10, $0x1;
	s10 =	sld [smem:$0x3FB7];
	_ =	sdelay $0x3  }
0x34: {  	[smem:$0x3FB7] =	sst s10  }
0x35: {  	s10 =	sld [smem:$0x3FB6];
	_ =	sdelay $0x3  }
0x36: {  	p1 =	seq.s32 s10, $0x1;
	s10 =	sld [smem:$0x3FB7];
	_ =	sdelay $0x3  }
0x37: {  	[smem:$0x3FB7] =	sst s10  }
0x38: {  	s10 =	sld [smem:$0x3FB8]  }
0x39: {  	_ = 	snop;
	(pc) =	sbr.ind lr, $3  }
0x3a: {  	_ = 	snop  }
0x3b: {  	_ = 	snop  }
0x3c: {  	p2 =	seq.s32 s10, $0x1;
	s10 =	sld [smem:$0x3FB7]  }
0x3d: {  	_ =	shalt  }
0x3e: {  	_ =	shalt  }
0x3f: {  	_ =	shalt  }
0x40: {  	_ =	shalt  }
0x41: {  	_ =	shalt  }
0x42: {  	_ =	shalt  }
0x43: {  	_ =	shalt  }
0x44: {  	_ =	shalt  }
0x45: {  	_ =	shalt  }
0x46: {  	_ =	shalt  }
0x47: {  	_ =	shalt  }
0x48: {  	_ =	shalt  }
0x49: {  	_ =	shalt  }
0x4a: {  	_ =	shalt  }
0x4b: {  	_ =	shalt  }
0x4c: {  	_ =	shalt  }
0x4d: {  	_ =	shalt  }
0x4e: {  	_ =	shalt  }
0x4f: {  	_ =	shalt  }
0x50: {  	_ =	shalt  }
0x51: {  	_ =	shalt  }
0x52: {  	_ =	shalt  }
0x53: {  	_ =	shalt  }
0x54: {  	_ =	shalt  }
0x55: {  	_ =	shalt  }
0x56: {  	_ =	shalt  }
0x57: {  	_ =	shalt  }
0x58: {  	_ =	shalt  }
0x59: {  	_ =	shalt  }
0x5a: {  	_ =	shalt  }
0x5b: {  	_ =	shalt  }
0x5c: {  	_ =	shalt  }
0x5d: {  	_ =	shalt  }
0x5e: {  	_ =	shalt  }
0x5f: {  	_ =	shalt  }
0x60: {  	_ =	shalt  }
0x61: {  	_ =	shalt  }
0x62: {  	_ =	shalt  }
0x63: {  	_ =	shalt  }
0x64: {  	_ =	shalt  }
0x65: {  	_ =	shalt  }
0x66: {  	_ =	shalt  }
0x67: {  	_ =	shalt  }
0x68: {  	_ =	shalt  }
0x69: {  	_ =	shalt  }
0x6a: {  	_ =	shalt  }
0x6b: {  	_ =	shalt  }
0x6c: {  	_ =	shalt  }
0x6d: {  	_ =	shalt  }
0x6e: {  	_ =	shalt  }
0x6f: {  	_ =	shalt  }
0x70: {  	_ =	shalt  }
0x71: {  	_ =	shalt  }
0x72: {  	_ =	shalt  }
0x73: {  	_ =	shalt  }
0x74: {  	_ =	shalt  }
0x75: {  	_ =	shalt  }
0x76: {  	_ =	shalt  }
0x77: {  	_ =	shalt  }
0x78: {  	_ =	shalt  }
0x79: {  	_ =	shalt  }
0x7a: {  	_ =	shalt  }
0x7b: {  	_ =	shalt  }
0x7c: {  	_ =	shalt  }
0x7d: {  	_ =	shalt  }
0x7e: {  	_ =	shalt  }
0x7f: {  	_ =	shalt  }
0x80: {  	_ =	shalt  }
0x81: {  	_ =	shalt  }
0x82: {  	_ =	shalt  }
0x83: {  	_ =	shalt  }
0x84: {  	_ =	shalt  }
0x85: {  	_ =	shalt  }
0x86: {  	_ =	shalt  }
0x87: {  	_ =	shalt  }
.Lfunc_end0:
.L_simem_size_0:
called_computation_lowered:
.L_overlay_start_0:
0x88: {  	s2 =	sld [smem:$0x3FD9]  }
0x89: {  	s3 =	sld [smem:$0x3FFE];
	_ =	sdelay $0x1  }
0x8a: {  	s1 =	srdreg.scid  }
0x8b: {  	s0 =	sand.u32 $0x1, s1  }
0x8c: {  	s14 =	sshll.u32 s0, $0xA;
	s2 =	sadd.s32 s3, s2  }
0x8d: {  	s2 =	sadd.s32 s2, s14  }
0x8e: {  	[smem:$0x3FC3] =	sst s2  }
0x8f: {  	_ = 	snop  }
0x90: {  	s2 =	sld [smem:$0x3FD0];
	_ =	sdelay $0x2  }
0x91: {  	s4 =	simm.s32 $0xA;
	s5 =	simm.s32 $0x10;
	s15 =	sld [smem:$0x3FC7]  }
0x92: {  	[smem:s5], [sflag:s4] =	dma.local [hbm:s2], $0x1  }
0x93: {  	_ =	swait.eq [sflag:s4], $0x1  }
0x94: {  	[sflag:s4] =	ssyncset.done $0x0  }
0x95: {  	[sflag:s4] =	ssyncadd.s32 $0xFFFFFFFF  }
0x96: {  	s16 =	sld [smem:$0x10];
	(tm) =	ssettm $0x1  }
0x97: {  	s17 =	sld [smem:$0x3FFB];
	_ =	sdelay $0x3  }
0x98: {  	_ =	strace s17  }
0x99: {  	s4 =	sld [smem:$0x3FFC];
	_ =	sdelay $0x3  }
0x9a: {  	_ =	strace s4  }
0x9b: {  	s4 =	sld [smem:$0x3FFD];
	_ =	sdelay $0x3  }
0x9c: {  	_ =	strace s4  }
0x9d: {  	_ =	strace $0x8FFFFFFF  }
0x9e: {  	s18 =	sld [smem:$0x3FDB];
	_ =	sdelay $0x1  }
0x9f: {  	s19 =	simm.s32 $_scs_section_size  }
0xa0: {  	s6 =	simm.s32 $_size__tile_overlayer_lowered;
	s7 =	simm.s32 $_tile_overlayer_lowered  }
0xa1: {  	s22 =	simm.s32 $0x1BFF;
	s21 =	sshll.u32 s7, $0x1;
	s4 =	sadd.s32 s19, s18  }
0xa2: {  	s8 =	simm.s32 $0x0;
	s20 =	sshll.u32 s6, $0x1;
	s6 =	sadd.s32 s21, s4  }
0xa3: {  	[timem:s8], [sflag:s22] =	dma.local [hbm:s6], s20  }
0xa4: {  	_ =	swait.ge [sflag:s22], s20  }
0xa5: {  	s5 =	ssub.s32 $0x0, s20;
	[sflag:s22] =	ssyncset.done $0x0  }
0xa6: {  	[sflag:s22] =	ssyncadd.s32 s5;
	_ =	sdelay $0x1  }
0xa7: {  	s23 =	simm.s32 $0x1B8B  }
0xa8: {  	_ =	swait.ge [sflag:s23], $0x1  }
0xa9: {  	[sflag:s23] =	ssyncset.done $0x0  }
0xaa: {  	s25 =	simm.s32 $0x1B8E;
	s24 =	sld [smem:$0x3FFE];
	[sflag:s23] =	ssyncadd.s32 $0xFFFFFFFF  }
0xab: {  	s26 =	simm.s32 $execute0_lowered;
	[smem:$0x3FD2] =	sst s25  }
0xac: {  	s6 =	sshll.u32 s26, $0x1;
	_ =	strace $0x80000046;
	[dreg:$0x1] =	wrdreg $0xFFFFFFFF  }
0xad: {  	s28 =	simm.s32 $_size_execute0_lowered;
	s4 =	sadd.s32 s4, s6;
	[dreg:$0x0] =	wrdreg $0x0  }
0xae: {  	s6 =	sshll.u32 s28, $0x1;
	[dreg:$0x2] =	wrdreg s4  }
0xaf: {  	[dreg:$0x3] =	wrdreg s6  }
0xb0: {  	[dreg:$0x4] =	wrdreg $0xC0  }
0xb1: {  	_ =	task [dreg:s8], $0x5FFFF  }
0xb2: {  	[dreg:$0x1] =	wrdreg $0xFFFFFFFF  }
0xb3: {  	[dreg:$0x0] =	wrdreg $0x60  }
0xb4: {  	[dreg:$0x2] =	wrdreg s16  }
0xb5: {  	[dreg:$0x3] =	wrdreg s15  }
0xb6: {  	[dreg:$0x4] =	wrdreg s24  }
0xb7: {  	[dreg:$0x5] =	wrdreg $0x9  }
0xb8: {  	_ =	task.clear_ibuf [dreg:s8], $0x6FFFF;
	_ =	strace $0x90000046  }
0xb9: {  	s29 =	simm.s32 $0x9;
	_ =	strace $0x80000048  }
0xba: {  	_ =	swait.ge [sflag:s29], $0x1  }
0xbb: {  	[sflag:s29] =	ssyncadd.s32 $0xFFFFFFFF  }
0xbc: {  	_ =	strace $0x90000048  }
0xbd: {  	_ =	sfence  }
0xbe: {  	s30 =	sld [smem:$0x0];
	_ =	sdelay $0x2  }
0xbf: {  	s31 =	sshll.u32 s1, $0xD;
	s1 =	sshrl.u32 s1, $0x2  }
0xc0: {  	s3 =	sand.u32 $0x4000, s31;
	s1 =	sadd.s32 s1, s30  }
0xc1: {  	s0 =	sor.u32 s3, s0;
	s1 =	sshll.u32 s1, $0x11  }
0xc2: {  	s0 =	sor.u32 s1, s0  }
0xc3: {  	s0 =	sadd.s32 $0x8F2B, s0  }
0xc4: {  	[sflag:s0] =	ssyncadd.remote.s32 $0x1  }
0xc5: {  	_ =	sfence.sel $0xFFFF  }
0xc6: {  	[dreg:$0x0] =	wrdreg $0xFFFFFFFF;
	(pc) =	sbr.abs _section_cstart, $3  }
0xc7: {  	[dreg:$0x1] =	wrdreg $0xFFFFFFFF  }
0xc8: {  	_ =	task.clear_ibuf [dreg:s8], $0x2FFFF;
	_ =	strace $0x9FFFFFFF  }
0xc9: {  	(tm) =	ssettm $0x7FFFFFFF  }
tec
execute0_lowered:
.L_overlay_start_1:
0x0: {  	(tag) =	ssettag $0x1  }
0x1: {  	s4 =	rddreg [dreg:$0x0]  }
0x2: {  	s1 =	rddreg [dreg:$0x1]  }
0x3: {  	s5 =	rddreg [dreg:$0x2]  }
0x4: {  	s0 =	rddreg [dreg:$0x3];
	s3 =	simm.s32 $0x0;
	s6 =	srdreg.scid  }
0x5: {  	s2 =	stileid.u32;
	s11 =	simm.s32 $0x4000;
	s12 =	simm.s32 $0x8000  }
0x6: {  	s13 =	simm.s32 $0xC000;
	s14 =	simm.s32 $0x10000;
	s15 =	simm.s32 $0x1  }
0x7: {  	s16 =	simm.s32 $0x2;
	s17 =	simm.s32 $0x3F00;
	s18 =	simm.s32 $0x3F80  }
0x8: {  	s19 =	simm.s32 $0x0;
	[smem:$0x7FF] =	sst s3;
	s8 =	sand.u32 $0x1, s6  }
0x9: {  	s28 =	sshll.u32 s2, $0xF;
	s9 =	sadd.s32 $0xA00, s5;
	s31 =	sshll.u32 s2, $0x13  }
0xa: {  	_ =	strace $0x80000047;
	s7 =	sshll.u32 s8, $0xE;
	s29 =	ssub.s32 $0x2, s8  }
0xb: {  	s8 =	sshll.u32 s8, $0x12;
	s6 =	sor.u32 s7, s28;
	s30 =	sshrl.u32 s29, $0x1  }
0xc: {  	s10 =	sshrl.u32 s6, $0x3;
	s6 =	sshll.u32 s6, $0x4;
	s7 =	ssub.s32 s29, s30  }
0xd: {  	s4 =	sadd.s32 s4, s10;
	s6 =	sadd.s32 s6, s9;
	s7 =	smax.u32 s7, $0x1  }
0xe: {  	s9 =	sadd.s32 s31, s9;
	s10 =	simm.s32 $0x80;
	s5 =	sadd.s32 $0x3E000, s6  }
0xf: {  	s6 =	sadd.s32 $0x3F000, s6;
	s8 =	sadd.s32 s8, s9;
	s9 =	simm.s32 $0x3  }
.LBB2_1:
0x10: {  	[tilespmem:s3], [sflag:$0x3] =	stream.linear.gather [hbm4b:s4+s3], $0x4000, $0x38;
	[tilespmem:$0x14000] =	vst v63  }
0x11: {  	_ =	swait.ge [sflag:s9], $0x4000  }
0x12: {  	[sflag:s9] =	ssyncset.done $0x0  }
0x13: {  	[sflag:s9] =	ssyncadd.s32 $0xFFFFC000  }
0x14: {  	[tilespmem:s11], [sflag:$0x1] =	stream.indirect.gather [hbm4b:s1+s10], $0x80, s3, s10, $0xb8;
	[tilespmem:$0x14000] =	vst v63  }
0x15: {  	_ = 	snop  }
0x16: {  	[tilespmem:s12], [sflag:$0x1] =	stream.indirect.gather [hbm4b:s1+s10], $0x80, s10, s10, $0xb8;
	[tilespmem:$0x14000] =	vst v63  }
0x17: {  	s20 =	simm.s32 $0x100  }
0x18: {  	[tilespmem:s13], [sflag:$0x2] =	stream.indirect.gather [hbm4b:s1+s10], $0x80, s20, s10, $0xb8;
	[tilespmem:$0x14000] =	vst v63  }
0x19: {  	s28 =	simm.s32 $0x180  }
0x1a: {  	[tilespmem:s14], [sflag:$0x2] =	stream.indirect.gather [hbm4b:s1+s10], $0x80, s28, s10, $0xb8;
	[tilespmem:$0x14000] =	vst v63  }
0x1b: {  	_ =	swait.ge [sflag:s15], $0x8000  }
0x1c: {  	[sflag:s15] =	ssyncset.done $0x0  }
0x1d: {  	[sflag:s15] =	ssyncadd.s32 $0xFFFF8000  }
0x1e: {  	[hbm4b:s8+s3] =	stream.linear.scatter [tilespmem:s11], [sflag:$0x3], $0x8000, $0x38;
	[tilespmem:$0x14000] =	vst v63  }
0x1f: {  	_ =	swait.ge [sflag:s9], $0x8000  }
0x20: {  	[sflag:s9] =	ssyncset.done $0x0  }
0x21: {  	s29 =	simm.s32 $0x200;
	[sflag:s9] =	ssyncadd.s32 $0xFFFF8000  }
0x22: {  	[tilespmem:s11], [sflag:$0x1] =	stream.indirect.gather [hbm4b:s1+s10], $0x80, s29, s10, $0xb8;
	[tilespmem:$0x14000] =	vst v63  }
0x23: {  	s30 =	simm.s32 $0x280  }
0x24: {  	[tilespmem:s12], [sflag:$0x1] =	stream.indirect.gather [hbm4b:s1+s10], $0x80, s30, s10, $0xb8;
	[tilespmem:$0x14000] =	vst v63  }
0x25: {  	_ =	swait.ge [sflag:s16], $0x8000  }
0x26: {  	[sflag:s16] =	ssyncset.done $0x0  }
0x27: {  	s31 =	sadd.s32 $0x1000, s8;
	[sflag:s16] =	ssyncadd.s32 $0xFFFF8000  }
0x28: {  	[hbm4b:s31+s3] =	stream.linear.scatter [tilespmem:s13], [sflag:$0x3], $0x8000, $0x38;
	[tilespmem:$0x14000] =	vst v63  }
0x29: {  	s22 =	simm.s32 $0x1000;
	_ =	swait.ge [sflag:s9], $0x8000  }
0x2a: {  	s21 =	simm.s32 $0x200;
	s20 =	sadd.s32 $0x2000, s8;
	[sflag:s9] =	ssyncset.done $0x0  }
.LBB2_2:
0x2b: {  	s23 =	sadd.s32 $0x100, s21  }
0x2c: {  	[sflag:s9] =	ssyncadd.s32 $0xFFFF8000;
	s24 =	smov.u32 s22;
	s25 =	sadd.s32 $0x800, s22  }
0x2d: {  	[tilespmem:s13], [sflag:$0x2] =	stream.indirect.gather [hbm4b:s1+s10], $0x80, s23, s10, $0xb8;
	[tilespmem:$0x14000] =	vst v63  }
0x2e: {  	p0 =	sne.s32 s22, $0xF000;
	s22 =	sadd.s32 $0x180, s21  }
0x2f: {  	[tilespmem:s14], [sflag:$0x2] =	stream.indirect.gather [hbm4b:s1+s10], $0x80, s22, s10, $0xb8;
	[tilespmem:$0x14000] =	vst v63  }
0x30: {  	_ =	swait.ge [sflag:s15], $0x8000  }
0x31: {  	[sflag:s15] =	ssyncset.done $0x0  }
0x32: {  	[sflag:s15] =	ssyncadd.s32 $0xFFFF8000  }
0x33: {  	[hbm4b:s20+s3] =	stream.linear.scatter [tilespmem:s11], [sflag:$0x3], $0x8000, $0x38;
	[tilespmem:$0x14000] =	vst v63  }
0x34: {  	_ =	swait.ge [sflag:s9], $0x8000  }
0x35: {  	[sflag:s9] =	ssyncset.done $0x0  }
0x36: {  	s22 =	sadd.s32 $0x200, s21;
	[sflag:s9] =	ssyncadd.s32 $0xFFFF8000  }
0x37: {  	[tilespmem:s11], [sflag:$0x1] =	stream.indirect.gather [hbm4b:s1+s10], $0x80, s22, s10, $0xb8;
	[tilespmem:$0x14000] =	vst v63  }
0x38: {  	s21 =	sadd.s32 $0x280, s21  }
0x39: {  	[tilespmem:s12], [sflag:$0x1] =	stream.indirect.gather [hbm4b:s1+s10], $0x80, s21, s10, $0xb8;
	[tilespmem:$0x14000] =	vst v63  }
0x3a: {  	_ =	swait.ge [sflag:s16], $0x8000  }
.Ltmp0:
0x3b: {  	[sflag:s16] =	ssyncset.done $0x0;
	(pc) =	sbr.rel @p0 .LBB2_2-.Ltmp0, $4  }
0x3c: {  	s21 =	sadd.s32 $0x1000, s20;
	[sflag:s16] =	ssyncadd.s32 $0xFFFF8000  }
0x3d: {  	[hbm4b:s21+s3] =	stream.linear.scatter [tilespmem:s13], [sflag:$0x3], $0x8000, $0x38;
	[tilespmem:$0x14000] =	vst v63  }
0x3e: {  	s22 =	smov.u32 s25;
	_ =	swait.ge [sflag:s9], $0x8000  }
0x3f: {  	s20 =	sadd.s32 $0x2000, s20;
	s21 =	sshra.s32 s24, $0x2;
	[sflag:s9] =	ssyncset.done $0x0  }
0x40: {  	s22 =	sadd.s32 $0x100, s21;
	[sflag:s9] =	ssyncadd.s32 $0xFFFF8000  }
0x41: {  	[tilespmem:s13], [sflag:$0x2] =	stream.indirect.gather [hbm4b:s1+s10], $0x80, s22, s10, $0xb8;
	[tilespmem:$0x14000] =	vst v63  }
0x42: {  	s28 =	sadd.s32 $0x180, s21  }
0x43: {  	[tilespmem:s14], [sflag:$0x2] =	stream.indirect.gather [hbm4b:s1+s10], $0x80, s28, s10, $0xb8;
	[tilespmem:$0x14000] =	vst v63  }
0x44: {  	_ =	swait.ge [sflag:s15], $0x8000  }
0x45: {  	[sflag:s15] =	ssyncset.done $0x0  }
0x46: {  	[sflag:s15] =	ssyncadd.s32 $0xFFFF8000  }
0x47: {  	[hbm4b:s20+s3] =	stream.linear.scatter [tilespmem:s11], [sflag:$0x3], $0x8000, $0x38;
	[tilespmem:$0x14000] =	vst v63  }
0x48: {  	_ =	swait.ge [sflag:s9], $0x8000  }
0x49: {  	[sflag:s9] =	ssyncset.done $0x0  }
0x4a: {  	s29 =	sadd.s32 $0x200, s21;
	[sflag:s9] =	ssyncadd.s32 $0xFFFF8000  }
0x4b: {  	[tilespmem:s11], [sflag:$0x1] =	stream.indirect.gather [hbm4b:s1+s10], $0x80, s29, s10, $0xb8;
	[tilespmem:$0x14000] =	vst v63  }
0x4c: {  	s30 =	sadd.s32 $0x280, s21  }
0x4d: {  	[tilespmem:s12], [sflag:$0x1] =	stream.indirect.gather [hbm4b:s1+s10], $0x80, s30, s10, $0xb8;
	[tilespmem:$0x14000] =	vst v63  }
0x4e: {  	_ =	swait.ge [sflag:s16], $0x8000  }
0x4f: {  	[sflag:s16] =	ssyncset.done $0x0  }
0x50: {  	s31 =	sadd.s32 $0x1000, s20;
	[sflag:s16] =	ssyncadd.s32 $0xFFFF8000  }
0x51: {  	[hbm4b:s31+s3] =	stream.linear.scatter [tilespmem:s13], [sflag:$0x3], $0x8000, $0x38;
	[tilespmem:$0x14000] =	vst v63  }
0x52: {  	_ =	swait.ge [sflag:s9], $0x8000  }
0x53: {  	[sflag:s9] =	ssyncset.done $0x0  }
0x54: {  	[sflag:s9] =	ssyncadd.s32 $0xFFFF8000  }
0x55: {  	[tilespmem:s13], [sflag:$0x2] =	stream.indirect.gather [hbm4b:s1+s10], $0x80, s17, s10, $0xb8;
	[tilespmem:$0x14000] =	vst v63  }
0x56: {  	_ = 	snop  }
0x57: {  	[tilespmem:s14], [sflag:$0x2] =	stream.indirect.gather [hbm4b:s1+s10], $0x80, s18, s10, $0xb8;
	[tilespmem:$0x14000] =	vst v63  }
0x58: {  	_ =	swait.ge [sflag:s15], $0x8000  }
0x59: {  	[sflag:s15] =	ssyncset.done $0x0  }
0x5a: {  	[sflag:s15] =	ssyncadd.s32 $0xFFFF8000  }
0x5b: {  	[hbm4b:s5+s3] =	stream.linear.scatter [tilespmem:s11], [sflag:$0x3], $0x8000, $0x38;
	[tilespmem:$0x14000] =	vst v63  }
0x5c: {  	_ =	swait.ge [sflag:s9], $0x8000  }
0x5d: {  	[sflag:s9] =	ssyncset.done $0x0  }
0x5e: {  	[sflag:s9] =	ssyncadd.s32 $0xFFFF8000  }
0x5f: {  	s19 =	sadd.s32 $0x1, s19;
	_ =	swait.ge [sflag:s16], $0x8000  }
0x60: {  	p0 =	sne.s32 s19, s7;
	[sflag:s16] =	ssyncset.done $0x0  }
.Ltmp1:
0x61: {  	[sflag:s16] =	ssyncadd.s32 $0xFFFF8000;
	(pc) =	sbr.rel @p0 .LBB2_1-.Ltmp1, $4  }
0x62: {  	[hbm4b:s6+s3] =	stream.linear.scatter [tilespmem:s13], [sflag:$0x3], $0x8000, $0x38;
	[tilespmem:$0x14000] =	vst v63  }
0x63: {  	_ =	swait.ge [sflag:s9], $0x8000  }
0x64: {  	[sflag:s9] =	ssyncset.done $0x0  }
0x65: {  	[sflag:s9] =	ssyncadd.s32 $0xFFFF8000  }
0x66: {  	_ =	sfence.sel $0x180000  }
0x67: {  	[bflag:$0x0] =	sbarrier.arrive $0xFFFF  }
0x68: {  	p0 =	sne.s32 s2, $0x0;
	_ =	strace $0x90000047  }
0x69: {  	s0 =	sadd.s32 @!p0 $0x100000, s0;
	[bflag:$0x2] =	sbarrier.arrive $0xFFFF  }
0x6a: {  	[sflag:s0] =	ssyncadd.tile.s32 @!p0 $0x1;
	_ =	shalt  }
.Lfunc_end2:
_tile_overlayer_lowered:
.L_overlay_start_2:
0x6b: {  	(tag) =	ssettag $0x2  }
0x6c: {  	s0 =	rddreg [dreg:$0x0];
	s2 =	stileid.u32  }
0x6d: {  	s1 =	rddreg [dreg:$0x1];
	p0 =	sne.s32 s2, $0x0  }
0x6e: {  	s3 =	rddreg [dreg:$0x2];
	[bflag:$0x3] =	sbarrier.arrive $0xFFFF;
	s2 =	simm.s32 @!p0 $0x1C03  }
0x6f: {  	[timem:s3], [sflag:s2] =	dma.local @!p0 [hbm:s0], s1  }
0x70: {  	s0 =	simm.s32 @!p0 $0x3  }
0x71: {  	_ =	swait.ge @!p0 [sflag:s0], s1  }
0x72: {  	s1 =	ssub.s32 @!p0 $0x0, s1;
	[sflag:s0] =	ssyncset.done @!p0 $0x0  }
0x73: {  	[sflag:s0] =	ssyncadd.s32 @!p0 s1  }
0x74: {  	[bflag:$0x3] =	sbarrier.arrive $0xFFFF  }
0x75: {  	_ =	shalt  }

</sc_bundles>
